<compile_context>
chip_gen: v7x
topology: tpu7x:2x2x1
jax: 0.10.2.dev20260603
libtpu: 0.0.44.dev20260713+nightly
codegen_flags: <defaults>
</compile_context>

<pallas_src>
import jax
import jax.numpy as jnp
from jax import lax
from jax.experimental import pallas as pl
from jax.experimental.pallas import tpu as pltpu
from jax.experimental.pallas import tpu_sc as plsc

NC, NS = 2, 16
NW = NC * NS
BATCH, SEQ, D = 4096, 26, 64
BBLK = BATCH // NW

_mesh = plsc.VectorSubcoreMesh(
    core_axis_name="c", subcore_axis_name="s", num_cores=NC, num_subcores=NS
)


def _gather_body(ids_hbm, table_hbm, out_hbm, idx_v, rows_v, gsem0, gsem1):
    wid = lax.axis_index("s") * NC + lax.axis_index("c")
    b0 = wid * BBLK
    pltpu.sync_copy(ids_hbm.at[:, pl.ds(b0, BBLK)], idx_v)

    def fire(s, slot, sem):
        pltpu.async_copy(table_hbm.at[idx_v.at[s]], rows_v.at[slot], sem)

    def drain_store(s, slot, sem):
        pltpu.make_async_copy(
            table_hbm.at[idx_v.at[s]], rows_v.at[slot], sem
        ).wait()
        pltpu.sync_copy(
            rows_v.at[slot], out_hbm.at[pl.ds(b0, BBLK), s, pl.ds(0, D)]
        )

    fire(0, 0, gsem0)

    def body(h, carry):
        s0 = 2 * h
        fire(s0 + 1, 1, gsem1)
        drain_store(s0, 0, gsem0)

        @pl.when(h + 1 < SEQ // 2)
        def _():
            fire(s0 + 2, 0, gsem0)

        drain_store(s0 + 1, 1, gsem1)
        return carry

    lax.fori_loop(0, SEQ // 2, body, 0)


_gather = pl.kernel(
    _gather_body,
    out_type=jax.ShapeDtypeStruct((BATCH, 32, 128), jnp.float32),
    mesh=_mesh,
    scratch_types=[
        pltpu.VMEM((SEQ, BBLK), jnp.int32),
        pltpu.VMEM((2, BBLK, D), jnp.float32),
        pltpu.SemaphoreType.DMA,
        pltpu.SemaphoreType.DMA,
    ],
    compiler_params=pltpu.CompilerParams(use_tc_tiling_on_sc=False),
)


@jax.jit
def kernel(input_ids, table):
    ids_t = input_ids.astype(jnp.int32).T
    out = _gather(ids_t, table)
    return out[:, :SEQ, :D]

# --- scband reference (transcript-rebuilt; emitter-appended) ---
"""Pipeline reference for scband-embeddings-66872640798976 (READ-ONLY COPY).

The authoritative reference and input builder live on the scoring server;
editing this copy changes nothing except your own understanding.
"""

import jax, jax.numpy as jnp
import numpy as np


def setup_inputs(seed: int = 0) -> dict:
    key = jax.random.key(seed)
    k_idx, k_tab = jax.random.split(key)
    input_ids = jax.random.randint(k_idx, (4096, 26), 0, 100000, dtype=jnp.int64)
    # nn.Embedding default init: N(0, 1)
    table = jax.random.normal(k_tab, (100000, 64), dtype=jnp.float32)
    return {"input_ids": input_ids, "table": table}


def reference(input_ids, table):
    # embedding lookup (gather rows)
    embeddings = jnp.take(table, input_ids, axis=0)
    # dropout is identity in eval / deterministic reference
    return embeddings

if __name__ == "__main__":
    import jax
    _d = setup_inputs()
    print(jax.jit(kernel)(*tuple(_d.values())))

</pallas_src>

<mosaic_0001>
#map = affine_map<(d0, d1) -> (0, 0)>
#map1 = affine_map<(d0, d1) -> (0, 0, 0)>
module attributes {stable_mosaic.version = 14 : i64} {
  func.func @_gather_body(%arg0: i32, %arg1: i32, %arg2: memref<26x4096xi32, #tpu.memory_space<hbm>>, %arg3: memref<100000x64xf32, #tpu.memory_space<hbm>>, %arg4: memref<4096x32x128xf32, #tpu.memory_space<hbm>>, %arg5: memref<26x128xi32, #tpu.memory_space<vmem>>, %arg6: memref<2x128x64xf32, #tpu.memory_space<vmem>>, %arg7: memref<!tpu.dma_semaphore, #tpu.memory_space<semaphore_mem>>, %arg8: memref<!tpu.dma_semaphore, #tpu.memory_space<semaphore_mem>>) attributes {dimension_semantics = [#tpu.dimension_semantics<core_parallel>, #tpu.dimension_semantics<subcore_parallel>], iteration_bounds = array<i64: 2, 16>, scalar_prefetch = 0 : i64, scratch_operands = 4 : i64, tpu.core_type = #tpu.core_type<sc_vector_subcore>, window_params = [{transform_indices = #map}, {transform_indices = #map}, {transform_indices = #map1}]} {
    %mul3A = arith.constant 2 : i32
    %mul3A_0 = arith.muli %arg1, %mul3A : i32
    %add3A = arith.addi %mul3A_0, %arg0 : i32
    %mul3A_1 = arith.constant 128 : i32
    %mul3A_2 = arith.muli %add3A, %mul3A_1 : i32
    "tpu.region"() ({
      %run_scoped3A = tpu.sem_alloc : memref<!tpu.dma_semaphore, #tpu.memory_space<semaphore_mem>>
      %dma_start3A_19 = arith.constant 0 : i32
      %dma_start3A_20 = tpu.memref_slice %arg2[%dma_start3A_19, %mul3A_2] : memref<26x4096xi32, #tpu.memory_space<hbm>> -> memref<26x128xi32, #tpu.memory_space<hbm>>
      %dma_start3A_21 = arith.constant 0 : i32
      %dma_start3A_22 = tpu.memref_slice %arg2[%dma_start3A_21, %mul3A_2] : memref<26x4096xi32, #tpu.memory_space<hbm>> -> memref<26x128xi32, #tpu.memory_space<hbm>>
      tpu.enqueue_dma source(%dma_start3A_22 : memref<26x128xi32, #tpu.memory_space<hbm>>) target(%arg5 : memref<26x128xi32, #tpu.memory_space<vmem>>) target_semaphore(%run_scoped3A : memref<!tpu.dma_semaphore, #tpu.memory_space<semaphore_mem>>)
      %dma_wait3A = arith.constant 0 : i32
      %dma_wait3A_23 = tpu.memref_slice %arg2[%dma_wait3A, %mul3A_2] : memref<26x4096xi32, #tpu.memory_space<hbm>> -> memref<26x128xi32, #tpu.memory_space<hbm>>
      %dma_wait3A_24 = arith.constant 0 : i32
      %dma_wait3A_25 = tpu.memref_slice %arg2[%dma_wait3A_24, %mul3A_2] : memref<26x4096xi32, #tpu.memory_space<hbm>> -> memref<26x128xi32, #tpu.memory_space<hbm>>
      tpu.wait_dma2 semaphore(%run_scoped3A : memref<!tpu.dma_semaphore, #tpu.memory_space<semaphore_mem>>) src(%dma_wait3A_25 : memref<26x128xi32, #tpu.memory_space<hbm>>) dst(%arg5 : memref<26x128xi32, #tpu.memory_space<vmem>>)
      tpu.yield
    }) : () -> ()
    %dma_start3A = arith.constant 0 : i32
    %dma_start3A_3 = arith.constant 0 : i32
    %dma_start3A_4 = arith.constant 0 : i32
    %dma_start3A_5 = arith.constant 0 : i32
    %dma_start3A_6 = tpu.memref_slice %arg6[%dma_start3A_3, %dma_start3A_4, %dma_start3A_5] : memref<2x128x64xf32, #tpu.memory_space<vmem>> -> memref<1x128x64xf32, #tpu.memory_space<vmem>>
    %dma_start3A_7 = tpu.memref_squeeze %dma_start3A_6 : memref<1x128x64xf32, #tpu.memory_space<vmem>> -> memref<128x64xf32, #tpu.memory_space<vmem>>
    %dma_start3A_8 = arith.constant 0 : i32
    %dma_start3A_9 = tpu.memref_slice %arg5[%dma_start3A, %dma_start3A_8] : memref<26x128xi32, #tpu.memory_space<vmem>> -> memref<1x128xi32, #tpu.memory_space<vmem>>
    %dma_start3A_10 = tpu.memref_squeeze %dma_start3A_9 : memref<1x128xi32, #tpu.memory_space<vmem>> -> memref<128xi32, #tpu.memory_space<vmem>>
    %dma_start3A_11 = arith.constant 0 : i32
    %dma_start3A_12 = arith.constant 0 : i32
    %dma_start3A_13 = tpu.memref_slice %arg3[%dma_start3A_11, %dma_start3A_12] : memref<100000x64xf32, #tpu.memory_space<hbm>> -> memref<100000x64xf32, #tpu.memory_space<hbm>>
    tpu.enqueue_indirect_dma source(%dma_start3A_13 : memref<100000x64xf32, #tpu.memory_space<hbm>>) target(%dma_start3A_7 : memref<128x64xf32, #tpu.memory_space<vmem>>) offsets(%dma_start3A_10 : memref<128xi32, #tpu.memory_space<vmem>>) semaphore(%arg7 : memref<!tpu.dma_semaphore, #tpu.memory_space<semaphore_mem>>)
    %scan3A = arith.constant 0 : i32
    %scan3A_14 = arith.constant 0 : i32
    %scan3A_15 = arith.constant 13 : i32
    %scan3A_16 = arith.addi %scan3A_14, %scan3A_15 : i32
    %scan3A_17 = arith.constant 1 : i32
    scf.for %scan3A_19 = %scan3A_14 to %scan3A_16 step %scan3A_17  : i32 {
      %mul3A_20 = arith.constant 2 : i32
      %mul3A_21 = arith.muli %mul3A_20, %scan3A_19 : i32
      %add3A_22 = arith.constant 1 : i32
      %add3A_23 = arith.addi %mul3A_21, %add3A_22 : i32
      %dma_start3A_24 = arith.constant 1 : i32
      %dma_start3A_25 = arith.constant 0 : i32
      %dma_start3A_26 = arith.constant 0 : i32
      %dma_start3A_27 = tpu.memref_slice %arg6[%dma_start3A_24, %dma_start3A_25, %dma_start3A_26] : memref<2x128x64xf32, #tpu.memory_space<vmem>> -> memref<1x128x64xf32, #tpu.memory_space<vmem>>
      %dma_start3A_28 = tpu.memref_squeeze %dma_start3A_27 : memref<1x128x64xf32, #tpu.memory_space<vmem>> -> memref<128x64xf32, #tpu.memory_space<vmem>>
      %dma_start3A_29 = arith.constant 0 : i32
      %dma_start3A_30 = tpu.memref_slice %arg5[%add3A_23, %dma_start3A_29] : memref<26x128xi32, #tpu.memory_space<vmem>> -> memref<1x128xi32, #tpu.memory_space<vmem>>
      %dma_start3A_31 = tpu.memref_squeeze %dma_start3A_30 : memref<1x128xi32, #tpu.memory_space<vmem>> -> memref<128xi32, #tpu.memory_space<vmem>>
      %dma_start3A_32 = arith.constant 0 : i32
      %dma_start3A_33 = arith.constant 0 : i32
      %dma_start3A_34 = tpu.memref_slice %arg3[%dma_start3A_32, %dma_start3A_33] : memref<100000x64xf32, #tpu.memory_space<hbm>> -> memref<100000x64xf32, #tpu.memory_space<hbm>>
      tpu.enqueue_indirect_dma source(%dma_start3A_34 : memref<100000x64xf32, #tpu.memory_space<hbm>>) target(%dma_start3A_28 : memref<128x64xf32, #tpu.memory_space<vmem>>) offsets(%dma_start3A_31 : memref<128xi32, #tpu.memory_space<vmem>>) semaphore(%arg8 : memref<!tpu.dma_semaphore, #tpu.memory_space<semaphore_mem>>)
      %dma_wait3A = arith.constant 0 : i32
      %dma_wait3A_35 = arith.constant 0 : i32
      %dma_wait3A_36 = arith.constant 0 : i32
      %dma_wait3A_37 = tpu.memref_slice %arg6[%dma_wait3A, %dma_wait3A_35, %dma_wait3A_36] : memref<2x128x64xf32, #tpu.memory_space<vmem>> -> memref<1x128x64xf32, #tpu.memory_space<vmem>>
      %dma_wait3A_38 = tpu.memref_squeeze %dma_wait3A_37 : memref<1x128x64xf32, #tpu.memory_space<vmem>> -> memref<128x64xf32, #tpu.memory_space<vmem>>
      %dma_wait3A_39 = arith.constant 0 : i32
      %dma_wait3A_40 = tpu.memref_slice %arg5[%mul3A_21, %dma_wait3A_39] : memref<26x128xi32, #tpu.memory_space<vmem>> -> memref<1x128xi32, #tpu.memory_space<vmem>>
      %dma_wait3A_41 = tpu.memref_squeeze %dma_wait3A_40 : memref<1x128xi32, #tpu.memory_space<vmem>> -> memref<128xi32, #tpu.memory_space<vmem>>
      %dma_wait3A_42 = arith.constant 0 : i32
      %dma_wait3A_43 = arith.constant 0 : i32
      %dma_wait3A_44 = tpu.memref_slice %arg3[%dma_wait3A_42, %dma_wait3A_43] : memref<100000x64xf32, #tpu.memory_space<hbm>> -> memref<100000x64xf32, #tpu.memory_space<hbm>>
      tpu.wait_indirect_dma semaphore(%arg7 : memref<!tpu.dma_semaphore, #tpu.memory_space<semaphore_mem>>) src(%dma_wait3A_44 : memref<100000x64xf32, #tpu.memory_space<hbm>>) dst(%dma_wait3A_38 : memref<128x64xf32, #tpu.memory_space<vmem>>)
      %run_scoped3A = arith.constant 0 : i32
      "tpu.region"() ({
        %run_scoped3A_63 = tpu.sem_alloc : memref<!tpu.dma_semaphore, #tpu.memory_space<semaphore_mem>>
        %dma_start3A_64 = arith.constant 0 : i32
        %dma_start3A_65 = arith.constant 0 : i32
        %dma_start3A_66 = tpu.memref_slice %arg6[%run_scoped3A, %dma_start3A_64, %dma_start3A_65] : memref<2x128x64xf32, #tpu.memory_space<vmem>> -> memref<1x128x64xf32, #tpu.memory_space<vmem>>
        %dma_start3A_67 = tpu.memref_squeeze %dma_start3A_66 : memref<1x128x64xf32, #tpu.memory_space<vmem>> -> memref<128x64xf32, #tpu.memory_space<vmem>>
        %dma_start3A_68 = arith.constant 0 : i32
        %dma_start3A_69 = tpu.memref_slice %arg4[%mul3A_2, %mul3A_21, %dma_start3A_68] : memref<4096x32x128xf32, #tpu.memory_space<hbm>> -> memref<128x1x64xf32, #tpu.memory_space<hbm>>
        %dma_start3A_70 = tpu.memref_squeeze %dma_start3A_69 : memref<128x1x64xf32, #tpu.memory_space<hbm>> -> memref<128x64xf32, #tpu.memory_space<hbm>>
        %dma_start3A_71 = arith.constant 0 : i32
        %dma_start3A_72 = tpu.memref_slice %arg4[%mul3A_2, %mul3A_21, %dma_start3A_71] : memref<4096x32x128xf32, #tpu.memory_space<hbm>> -> memref<128x1x64xf32, #tpu.memory_space<hbm>>
        %dma_start3A_73 = tpu.memref_squeeze %dma_start3A_72 : memref<128x1x64xf32, #tpu.memory_space<hbm>> -> memref<128x64xf32, #tpu.memory_space<hbm>>
        %dma_start3A_74 = arith.constant 0 : i32
        %dma_start3A_75 = arith.constant 0 : i32
        %dma_start3A_76 = tpu.memref_slice %arg6[%run_scoped3A, %dma_start3A_74, %dma_start3A_75] : memref<2x128x64xf32, #tpu.memory_space<vmem>> -> memref<1x128x64xf32, #tpu.memory_space<vmem>>
        %dma_start3A_77 = tpu.memref_squeeze %dma_start3A_76 : memref<1x128x64xf32, #tpu.memory_space<vmem>> -> memref<128x64xf32, #tpu.memory_space<vmem>>
        tpu.enqueue_dma source(%dma_start3A_77 : memref<128x64xf32, #tpu.memory_space<vmem>>) target(%dma_start3A_73 : memref<128x64xf32, #tpu.memory_space<hbm>>) target_semaphore(%run_scoped3A_63 : memref<!tpu.dma_semaphore, #tpu.memory_space<semaphore_mem>>)
        %dma_wait3A_78 = arith.constant 0 : i32
        %dma_wait3A_79 = arith.constant 0 : i32
        %dma_wait3A_80 = tpu.memref_slice %arg6[%run_scoped3A, %dma_wait3A_78, %dma_wait3A_79] : memref<2x128x64xf32, #tpu.memory_space<vmem>> -> memref<1x128x64xf32, #tpu.memory_space<vmem>>
        %dma_wait3A_81 = tpu.memref_squeeze %dma_wait3A_80 : memref<1x128x64xf32, #tpu.memory_space<vmem>> -> memref<128x64xf32, #tpu.memory_space<vmem>>
        %dma_wait3A_82 = arith.constant 0 : i32
        %dma_wait3A_83 = tpu.memref_slice %arg4[%mul3A_2, %mul3A_21, %dma_wait3A_82] : memref<4096x32x128xf32, #tpu.memory_space<hbm>> -> memref<128x1x64xf32, #tpu.memory_space<hbm>>
        %dma_wait3A_84 = tpu.memref_squeeze %dma_wait3A_83 : memref<128x1x64xf32, #tpu.memory_space<hbm>> -> memref<128x64xf32, #tpu.memory_space<hbm>>
        %dma_wait3A_85 = arith.constant 0 : i32
        %dma_wait3A_86 = tpu.memref_slice %arg4[%mul3A_2, %mul3A_21, %dma_wait3A_85] : memref<4096x32x128xf32, #tpu.memory_space<hbm>> -> memref<128x1x64xf32, #tpu.memory_space<hbm>>
        %dma_wait3A_87 = tpu.memref_squeeze %dma_wait3A_86 : memref<128x1x64xf32, #tpu.memory_space<hbm>> -> memref<128x64xf32, #tpu.memory_space<hbm>>
        %dma_wait3A_88 = arith.constant 0 : i32
        %dma_wait3A_89 = arith.constant 0 : i32
        %dma_wait3A_90 = tpu.memref_slice %arg6[%run_scoped3A, %dma_wait3A_88, %dma_wait3A_89] : memref<2x128x64xf32, #tpu.memory_space<vmem>> -> memref<1x128x64xf32, #tpu.memory_space<vmem>>
        %dma_wait3A_91 = tpu.memref_squeeze %dma_wait3A_90 : memref<1x128x64xf32, #tpu.memory_space<vmem>> -> memref<128x64xf32, #tpu.memory_space<vmem>>
        tpu.wait_dma2 semaphore(%run_scoped3A_63 : memref<!tpu.dma_semaphore, #tpu.memory_space<semaphore_mem>>) src(%dma_wait3A_91 : memref<128x64xf32, #tpu.memory_space<vmem>>) dst(%dma_wait3A_87 : memref<128x64xf32, #tpu.memory_space<hbm>>)
        tpu.yield
      }) : () -> ()
      %add3A_45 = arith.constant 1 : i32
      %add3A_46 = arith.addi %scan3A_19, %add3A_45 : i32
      %lt3A = arith.constant 13 : i32
      %lt3A_47 = arith.cmpi slt, %add3A_46, %lt3A : i32
      %convert_element_type3A = arith.extui %lt3A_47 : i1 to i32
      %cond3A = arith.constant 0 : i32
      %cond3A_48 = arith.cmpi ne, %convert_element_type3A, %cond3A : i32
      scf.if %cond3A_48 {
        %add3A_63 = arith.constant 2 : i32
        %add3A_64 = arith.addi %mul3A_21, %add3A_63 : i32
        %dma_start3A_65 = arith.constant 0 : i32
        %dma_start3A_66 = arith.constant 0 : i32
        %dma_start3A_67 = arith.constant 0 : i32
        %dma_start3A_68 = tpu.memref_slice %arg6[%dma_start3A_65, %dma_start3A_66, %dma_start3A_67] : memref<2x128x64xf32, #tpu.memory_space<vmem>> -> memref<1x128x64xf32, #tpu.memory_space<vmem>>
        %dma_start3A_69 = tpu.memref_squeeze %dma_start3A_68 : memref<1x128x64xf32, #tpu.memory_space<vmem>> -> memref<128x64xf32, #tpu.memory_space<vmem>>
        %dma_start3A_70 = arith.constant 0 : i32
        %dma_start3A_71 = tpu.memref_slice %arg5[%add3A_64, %dma_start3A_70] : memref<26x128xi32, #tpu.memory_space<vmem>> -> memref<1x128xi32, #tpu.memory_space<vmem>>
        %dma_start3A_72 = tpu.memref_squeeze %dma_start3A_71 : memref<1x128xi32, #tpu.memory_space<vmem>> -> memref<128xi32, #tpu.memory_space<vmem>>
        %dma_start3A_73 = arith.constant 0 : i32
        %dma_start3A_74 = arith.constant 0 : i32
        %dma_start3A_75 = tpu.memref_slice %arg3[%dma_start3A_73, %dma_start3A_74] : memref<100000x64xf32, #tpu.memory_space<hbm>> -> memref<100000x64xf32, #tpu.memory_space<hbm>>
        tpu.enqueue_indirect_dma source(%dma_start3A_75 : memref<100000x64xf32, #tpu.memory_space<hbm>>) target(%dma_start3A_69 : memref<128x64xf32, #tpu.memory_space<vmem>>) offsets(%dma_start3A_72 : memref<128xi32, #tpu.memory_space<vmem>>) semaphore(%arg7 : memref<!tpu.dma_semaphore, #tpu.memory_space<semaphore_mem>>)
      } else {
      }
      %add3A_49 = arith.constant 1 : i32
      %add3A_50 = arith.addi %mul3A_21, %add3A_49 : i32
      %dma_wait3A_51 = arith.constant 1 : i32
      %dma_wait3A_52 = arith.constant 0 : i32
      %dma_wait3A_53 = arith.constant 0 : i32
      %dma_wait3A_54 = tpu.memref_slice %arg6[%dma_wait3A_51, %dma_wait3A_52, %dma_wait3A_53] : memref<2x128x64xf32, #tpu.memory_space<vmem>> -> memref<1x128x64xf32, #tpu.memory_space<vmem>>
      %dma_wait3A_55 = tpu.memref_squeeze %dma_wait3A_54 : memref<1x128x64xf32, #tpu.memory_space<vmem>> -> memref<128x64xf32, #tpu.memory_space<vmem>>
      %dma_wait3A_56 = arith.constant 0 : i32
      %dma_wait3A_57 = tpu.memref_slice %arg5[%add3A_50, %dma_wait3A_56] : memref<26x128xi32, #tpu.memory_space<vmem>> -> memref<1x128xi32, #tpu.memory_space<vmem>>
      %dma_wait3A_58 = tpu.memref_squeeze %dma_wait3A_57 : memref<1x128xi32, #tpu.memory_space<vmem>> -> memref<128xi32, #tpu.memory_space<vmem>>
      %dma_wait3A_59 = arith.constant 0 : i32
      %dma_wait3A_60 = arith.constant 0 : i32
      %dma_wait3A_61 = tpu.memref_slice %arg3[%dma_wait3A_59, %dma_wait3A_60] : memref<100000x64xf32, #tpu.memory_space<hbm>> -> memref<100000x64xf32, #tpu.memory_space<hbm>>
      tpu.wait_indirect_dma semaphore(%arg8 : memref<!tpu.dma_semaphore, #tpu.memory_space<semaphore_mem>>) src(%dma_wait3A_61 : memref<100000x64xf32, #tpu.memory_space<hbm>>) dst(%dma_wait3A_55 : memref<128x64xf32, #tpu.memory_space<vmem>>)
      %run_scoped3A_62 = arith.constant 1 : i32
      "tpu.region"() ({
        %run_scoped3A_63 = tpu.sem_alloc : memref<!tpu.dma_semaphore, #tpu.memory_space<semaphore_mem>>
        %dma_start3A_64 = arith.constant 0 : i32
        %dma_start3A_65 = arith.constant 0 : i32
        %dma_start3A_66 = tpu.memref_slice %arg6[%run_scoped3A_62, %dma_start3A_64, %dma_start3A_65] : memref<2x128x64xf32, #tpu.memory_space<vmem>> -> memref<1x128x64xf32, #tpu.memory_space<vmem>>
        %dma_start3A_67 = tpu.memref_squeeze %dma_start3A_66 : memref<1x128x64xf32, #tpu.memory_space<vmem>> -> memref<128x64xf32, #tpu.memory_space<vmem>>
        %dma_start3A_68 = arith.constant 0 : i32
        %dma_start3A_69 = tpu.memref_slice %arg4[%mul3A_2, %add3A_50, %dma_start3A_68] : memref<4096x32x128xf32, #tpu.memory_space<hbm>> -> memref<128x1x64xf32, #tpu.memory_space<hbm>>
        %dma_start3A_70 = tpu.memref_squeeze %dma_start3A_69 : memref<128x1x64xf32, #tpu.memory_space<hbm>> -> memref<128x64xf32, #tpu.memory_space<hbm>>
        %dma_start3A_71 = arith.constant 0 : i32
        %dma_start3A_72 = tpu.memref_slice %arg4[%mul3A_2, %add3A_50, %dma_start3A_71] : memref<4096x32x128xf32, #tpu.memory_space<hbm>> -> memref<128x1x64xf32, #tpu.memory_space<hbm>>
        %dma_start3A_73 = tpu.memref_squeeze %dma_start3A_72 : memref<128x1x64xf32, #tpu.memory_space<hbm>> -> memref<128x64xf32, #tpu.memory_space<hbm>>
        %dma_start3A_74 = arith.constant 0 : i32
        %dma_start3A_75 = arith.constant 0 : i32
        %dma_start3A_76 = tpu.memref_slice %arg6[%run_scoped3A_62, %dma_start3A_74, %dma_start3A_75] : memref<2x128x64xf32, #tpu.memory_space<vmem>> -> memref<1x128x64xf32, #tpu.memory_space<vmem>>
        %dma_start3A_77 = tpu.memref_squeeze %dma_start3A_76 : memref<1x128x64xf32, #tpu.memory_space<vmem>> -> memref<128x64xf32, #tpu.memory_space<vmem>>
        tpu.enqueue_dma source(%dma_start3A_77 : memref<128x64xf32, #tpu.memory_space<vmem>>) target(%dma_start3A_73 : memref<128x64xf32, #tpu.memory_space<hbm>>) target_semaphore(%run_scoped3A_63 : memref<!tpu.dma_semaphore, #tpu.memory_space<semaphore_mem>>)
        %dma_wait3A_78 = arith.constant 0 : i32
        %dma_wait3A_79 = arith.constant 0 : i32
        %dma_wait3A_80 = tpu.memref_slice %arg6[%run_scoped3A_62, %dma_wait3A_78, %dma_wait3A_79] : memref<2x128x64xf32, #tpu.memory_space<vmem>> -> memref<1x128x64xf32, #tpu.memory_space<vmem>>
        %dma_wait3A_81 = tpu.memref_squeeze %dma_wait3A_80 : memref<1x128x64xf32, #tpu.memory_space<vmem>> -> memref<128x64xf32, #tpu.memory_space<vmem>>
        %dma_wait3A_82 = arith.constant 0 : i32
        %dma_wait3A_83 = tpu.memref_slice %arg4[%mul3A_2, %add3A_50, %dma_wait3A_82] : memref<4096x32x128xf32, #tpu.memory_space<hbm>> -> memref<128x1x64xf32, #tpu.memory_space<hbm>>
        %dma_wait3A_84 = tpu.memref_squeeze %dma_wait3A_83 : memref<128x1x64xf32, #tpu.memory_space<hbm>> -> memref<128x64xf32, #tpu.memory_space<hbm>>
        %dma_wait3A_85 = arith.constant 0 : i32
        %dma_wait3A_86 = tpu.memref_slice %arg4[%mul3A_2, %add3A_50, %dma_wait3A_85] : memref<4096x32x128xf32, #tpu.memory_space<hbm>> -> memref<128x1x64xf32, #tpu.memory_space<hbm>>
        %dma_wait3A_87 = tpu.memref_squeeze %dma_wait3A_86 : memref<128x1x64xf32, #tpu.memory_space<hbm>> -> memref<128x64xf32, #tpu.memory_space<hbm>>
        %dma_wait3A_88 = arith.constant 0 : i32
        %dma_wait3A_89 = arith.constant 0 : i32
        %dma_wait3A_90 = tpu.memref_slice %arg6[%run_scoped3A_62, %dma_wait3A_88, %dma_wait3A_89] : memref<2x128x64xf32, #tpu.memory_space<vmem>> -> memref<1x128x64xf32, #tpu.memory_space<vmem>>
        %dma_wait3A_91 = tpu.memref_squeeze %dma_wait3A_90 : memref<1x128x64xf32, #tpu.memory_space<vmem>> -> memref<128x64xf32, #tpu.memory_space<vmem>>
        tpu.wait_dma2 semaphore(%run_scoped3A_63 : memref<!tpu.dma_semaphore, #tpu.memory_space<semaphore_mem>>) src(%dma_wait3A_91 : memref<128x64xf32, #tpu.memory_space<vmem>>) dst(%dma_wait3A_87 : memref<128x64xf32, #tpu.memory_space<hbm>>)
        tpu.yield
      }) : () -> ()
    }
    %scan3A_18 = arith.constant 13 : i32
    return
  }
}

</mosaic_0001>

<sc_bundles>
// kernel: kernel.3.cloned.1.call-start
scs
__scs_entry_jumppad:
0x0: {  	(pc) =	sbr.rel $0x88, $3  }
0x1: {  	(tag) =	ssettag $0x0;
	lr =	simm.s32 $0x1  }
0x2: {  	[smem:$0x3F9F] =	sst lr;
	_ =	strace $0xD0000000  }
0x3: {  	_ = 	snop  }
0x4: {  	_ = 	snop  }
0x5: {  	_ = 	snop  }
0x6: {  	_ = 	snop  }
0x7: {  	_ = 	snop  }
__scs_overlays_trampoline_lowered:
0x8: {  	[smem:$0x3FAE] =	sst s0  }
0x9: {  	[smem:$0x3FAF] =	sst s1  }
0xa: {  	[smem:$0x3FB0] =	sst s2  }
0xb: {  	[smem:$0x3FB1] =	sst s3  }
0xc: {  	[smem:$0x3FB2] =	sst s4  }
0xd: {  	[smem:$0x3FB3] =	sst s5  }
0xe: {  	[smem:$0x3FB4] =	sst s6  }
0xf: {  	[smem:$0x3FB5] =	sst s7  }
0x10: {  	[smem:$0x3FB6] =	sst s8  }
0x11: {  	[smem:$0x3FB7] =	sst s9;
	s0 =	simm.s32 @!p0 $0x0  }
0x12: {  	s1 =	sld [smem:$0x3F9D];
	s0 =	simm.s32 @p0 $0x1  }
0x13: {  	[smem:$0x3FB8] =	sst s0;
	s0 =	simm.s32 @!p1 $0x0  }
0x14: {  	s2 =	sld [smem:$0x3F9C];
	s0 =	simm.s32 @p1 $0x1  }
0x15: {  	[smem:$0x3FB9] =	sst s0;
	s0 =	simm.s32 @!p2 $0x0  }
0x16: {  	s3 =	sld [smem:$0x3FDB];
	s0 =	simm.s32 @p2 $0x1  }
0x17: {  	s4 =	simm.s32 $0x1BF5;
	[smem:$0x3FBB] =	sst s0  }
0x18: {  	s0 =	sld [smem:$0x3F9E];
	_ =	swait.ge [sflag:s4], $0x0  }
0x19: {  	s7 =	sld [smem:$0x3F9F]  }
0x1a: {  	s8 =	sadd.s32 $0xFFFFE003, lr  }
0x1b: {  	s9 =	sadd.s32 $0xFFFFFEF7, lr;
	s5 =	simm.s32 $0xFFFFFFFF;
	p2 =	slt.u32 s8, $0xFFFFF086  }
0x1c: {  	p1 =	slt.u32 s9, $0xF7A;
	s5 =	simm.s32 @!p2 $0x0  }
0x1d: {  	s5 =	simm.s32 @p1 $0x1;
	p0 =	seq.s32 s7, s2  }
0x1e: {  	s7 =	smul.u32 @!p0 $0xF7A, s2;
	p2 =	seq.s32 @!p0 s5, $0x0  }
0x1f: {  	s9 =	smul.u32 $0xF7A, s1;
	s8 =	simm.s32 @!p0 $0x1BF5;
	p2 =	por !p2, p0  }
0x20: {  	[sflag:s8] =	ssyncset.s32 @!p0 $0xFFFFF086;
	s6 =	sadd.s32 @!p0 s3, s7;
	s7 =	simm.s32 @!p0 $0x108  }
0x21: {  	s3 =	sadd.s32 s3, s9;
	s6 =	sadd.s32 @!p0 $0x88, s6;
	s7 =	simm.s32 @p2 $0x1082  }
0x22: {  	[simem:s7], [sflag:s8] =	dma.local @!p0 [hbm:s6], $0xF7A  }
0x23: {  	s9 =	sor.u32 $0xD0000000, s2;
	s6 =	simm.s32 $0x108;
	_ =	swait.ge @!p0 [sflag:s8], $0x0  }
0x24: {  	s3 =	sadd.s32 $0x88, s3;
	s6 =	simm.s32 @!p1 $0x1082;
	[sflag:s4] =	ssyncset.s32 $0xFFFFF086  }
0x25: {  	[simem:s6], [sflag:s4] =	dma.local [hbm:s3], $0xF7A  }
0x26: {  	[smem:$0x3F9F] =	sst s1;
	(tag) =	ssettag s2;
	_ =	strace s9  }
0x27: {  	s1 =	sld [smem:$0x3FAF]  }
0x28: {  	s2 =	sld [smem:$0x3FB0]  }
0x29: {  	s4 =	sld [smem:$0x3FB2]  }
0x2a: {  	p0 =	seq.s32 s5, $0x0;
	s5 =	sld [smem:$0x3FB3]  }
0x2b: {  	s6 =	sld [smem:$0x3FB4]  }
0x2c: {  	s7 =	sld [smem:$0x3FB5]  }
0x2d: {  	s3 =	simm.s32 $0x108;
	s8 =	sld [smem:$0x3FB6]  }
0x2e: {  	s3 =	simm.s32 @!p0 $0x1082;
	s9 =	sld [smem:$0x3FB7]  }
0x2f: {  	lr =	sadd.s32 s0, s3;
	s0 =	sld [smem:$0x3FAE]  }
0x30: {  	s3 =	sld [smem:$0x3FB1]  }
0x31: {  	[smem:$0x3FBA] =	sst s10  }
0x32: {  	s10 =	sld [smem:$0x3FB8];
	_ =	sdelay $0x3  }
0x33: {  	p0 =	seq.s32 s10, $0x1;
	s10 =	sld [smem:$0x3FBA];
	_ =	sdelay $0x3  }
0x34: {  	[smem:$0x3FBA] =	sst s10  }
0x35: {  	s10 =	sld [smem:$0x3FB9];
	_ =	sdelay $0x3  }
0x36: {  	p1 =	seq.s32 s10, $0x1;
	s10 =	sld [smem:$0x3FBA];
	_ =	sdelay $0x3  }
0x37: {  	[smem:$0x3FBA] =	sst s10  }
0x38: {  	s10 =	sld [smem:$0x3FBB]  }
0x39: {  	_ = 	snop;
	(pc) =	sbr.ind lr, $3  }
0x3a: {  	_ = 	snop  }
0x3b: {  	_ = 	snop  }
0x3c: {  	p2 =	seq.s32 s10, $0x1;
	s10 =	sld [smem:$0x3FBA]  }
0x3d: {  	_ =	shalt  }
0x3e: {  	_ =	shalt  }
0x3f: {  	_ =	shalt  }
0x40: {  	_ =	shalt  }
0x41: {  	_ =	shalt  }
0x42: {  	_ =	shalt  }
0x43: {  	_ =	shalt  }
0x44: {  	_ =	shalt  }
0x45: {  	_ =	shalt  }
0x46: {  	_ =	shalt  }
0x47: {  	_ =	shalt  }
0x48: {  	_ =	shalt  }
0x49: {  	_ =	shalt  }
0x4a: {  	_ =	shalt  }
0x4b: {  	_ =	shalt  }
0x4c: {  	_ =	shalt  }
0x4d: {  	_ =	shalt  }
0x4e: {  	_ =	shalt  }
0x4f: {  	_ =	shalt  }
0x50: {  	_ =	shalt  }
0x51: {  	_ =	shalt  }
0x52: {  	_ =	shalt  }
0x53: {  	_ =	shalt  }
0x54: {  	_ =	shalt  }
0x55: {  	_ =	shalt  }
0x56: {  	_ =	shalt  }
0x57: {  	_ =	shalt  }
0x58: {  	_ =	shalt  }
0x59: {  	_ =	shalt  }
0x5a: {  	_ =	shalt  }
0x5b: {  	_ =	shalt  }
0x5c: {  	_ =	shalt  }
0x5d: {  	_ =	shalt  }
0x5e: {  	_ =	shalt  }
0x5f: {  	_ =	shalt  }
0x60: {  	_ =	shalt  }
0x61: {  	_ =	shalt  }
0x62: {  	_ =	shalt  }
0x63: {  	_ =	shalt  }
0x64: {  	_ =	shalt  }
0x65: {  	_ =	shalt  }
0x66: {  	_ =	shalt  }
0x67: {  	_ =	shalt  }
0x68: {  	_ =	shalt  }
0x69: {  	_ =	shalt  }
0x6a: {  	_ =	shalt  }
0x6b: {  	_ =	shalt  }
0x6c: {  	_ =	shalt  }
0x6d: {  	_ =	shalt  }
0x6e: {  	_ =	shalt  }
0x6f: {  	_ =	shalt  }
0x70: {  	_ =	shalt  }
0x71: {  	_ =	shalt  }
0x72: {  	_ =	shalt  }
0x73: {  	_ =	shalt  }
0x74: {  	_ =	shalt  }
0x75: {  	_ =	shalt  }
0x76: {  	_ =	shalt  }
0x77: {  	_ =	shalt  }
0x78: {  	_ =	shalt  }
0x79: {  	_ =	shalt  }
0x7a: {  	_ =	shalt  }
0x7b: {  	_ =	shalt  }
0x7c: {  	_ =	shalt  }
0x7d: {  	_ =	shalt  }
0x7e: {  	_ =	shalt  }
0x7f: {  	_ =	shalt  }
0x80: {  	_ =	shalt  }
0x81: {  	_ =	shalt  }
0x82: {  	_ =	shalt  }
0x83: {  	_ =	shalt  }
0x84: {  	_ =	shalt  }
0x85: {  	_ =	shalt  }
0x86: {  	_ =	shalt  }
0x87: {  	_ =	shalt  }
.Lfunc_end0:
.L_simem_size_0:
called_computation_lowered:
.L_overlay_start_0:
0x88: {  	s2 =	sld [smem:$0x3FD9]  }
0x89: {  	s3 =	sld [smem:$0x3FFE];
	_ =	sdelay $0x1  }
0x8a: {  	s1 =	srdreg.scid  }
0x8b: {  	s0 =	sand.u32 $0x1, s1  }
0x8c: {  	s17 =	sshll.u32 s0, $0xA;
	s2 =	sadd.s32 s3, s2  }
0x8d: {  	s2 =	sadd.s32 s2, s17  }
0x8e: {  	[smem:$0x3FC6] =	sst s2  }
0x8f: {  	_ = 	snop  }
0x90: {  	s2 =	sld [smem:$0x3FD0];
	(tm) =	ssettm $0x1  }
0x91: {  	s18 =	sld [smem:$0x3FFB];
	_ =	sdelay $0x3  }
0x92: {  	_ =	strace s18  }
0x93: {  	s3 =	sld [smem:$0x3FFC];
	_ =	sdelay $0x3  }
0x94: {  	_ =	strace s3  }
0x95: {  	s3 =	sld [smem:$0x3FFD];
	_ =	sdelay $0x3  }
0x96: {  	_ =	strace s3  }
0x97: {  	_ =	strace $0x8FFFFFFF  }
0x98: {  	s19 =	sld [smem:$0x3FDB];
	_ =	sdelay $0x1  }
0x99: {  	s4 =	simm.s32 $_scs_section_size  }
0x9a: {  	s5 =	simm.s32 $_size__tile_overlayer_lowered;
	s6 =	simm.s32 $_tile_overlayer_lowered  }
0x9b: {  	s22 =	simm.s32 $0x1BFF;
	s21 =	sshll.u32 s6, $0x1;
	s3 =	sadd.s32 s4, s19  }
0x9c: {  	s7 =	simm.s32 $0x0;
	s20 =	sshll.u32 s5, $0x1;
	s5 =	sadd.s32 s21, s3  }
0x9d: {  	[timem:s7], [sflag:s22] =	dma.local [hbm:s5], s20  }
0x9e: {  	_ =	swait.ge [sflag:s22], s20  }
0x9f: {  	s4 =	ssub.s32 $0x0, s20;
	[sflag:s22] =	ssyncset.done $0x0  }
0xa0: {  	[sflag:s22] =	ssyncadd.s32 s4;
	_ =	sdelay $0x1  }
0xa1: {  	s23 =	simm.s32 $0x1B8B  }
0xa2: {  	_ =	swait.ge [sflag:s23], $0x1  }
0xa3: {  	[sflag:s23] =	ssyncset.done $0x0  }
0xa4: {  	s25 =	simm.s32 $0x1B8E;
	s24 =	sld [smem:$0x3FFE];
	[sflag:s23] =	ssyncadd.s32 $0xFFFFFFFF  }
0xa5: {  	s26 =	simm.s32 $execute0_lowered;
	[smem:$0x3FD2] =	sst s25  }
0xa6: {  	s5 =	sshll.u32 s26, $0x1;
	_ =	strace $0x80000046;
	[dreg:$0x1] =	wrdreg $0xFFFFFFFF  }
0xa7: {  	s28 =	simm.s32 $_size_execute0_lowered;
	s3 =	sadd.s32 s3, s5;
	[dreg:$0x0] =	wrdreg $0x0  }
0xa8: {  	s5 =	sshll.u32 s28, $0x1;
	[dreg:$0x2] =	wrdreg s3  }
0xa9: {  	[dreg:$0x3] =	wrdreg s5  }
0xaa: {  	[dreg:$0x4] =	wrdreg $0xC0  }
0xab: {  	_ =	task [dreg:s7], $0x5FFFF  }
0xac: {  	[dreg:$0x1] =	wrdreg $0xFFFFFFFF  }
0xad: {  	[dreg:$0x0] =	wrdreg $0x60  }
0xae: {  	[dreg:$0x2] =	wrdreg s24  }
0xaf: {  	[dreg:$0x3] =	wrdreg s2  }
0xb0: {  	[dreg:$0x4] =	wrdreg $0x9  }
0xb1: {  	_ =	task.clear_ibuf [dreg:s7], $0x5FFFF;
	_ =	strace $0x90000046  }
0xb2: {  	s29 =	simm.s32 $0x9;
	_ =	strace $0x80000048  }
0xb3: {  	_ =	swait.ge [sflag:s29], $0x1  }
0xb4: {  	[sflag:s29] =	ssyncadd.s32 $0xFFFFFFFF  }
0xb5: {  	_ =	strace $0x90000048  }
0xb6: {  	_ =	sfence  }
0xb7: {  	s30 =	sld [smem:$0x0];
	_ =	sdelay $0x2  }
0xb8: {  	s31 =	sshll.u32 s1, $0xD;
	s1 =	sshrl.u32 s1, $0x2  }
0xb9: {  	s3 =	sand.u32 $0x4000, s31;
	s1 =	sadd.s32 s1, s30  }
0xba: {  	s0 =	sor.u32 s3, s0;
	s1 =	sshll.u32 s1, $0x11  }
0xbb: {  	s0 =	sor.u32 s1, s0  }
0xbc: {  	s0 =	sadd.s32 $0x8F2B, s0  }
0xbd: {  	[sflag:s0] =	ssyncadd.remote.s32 $0x1  }
0xbe: {  	_ =	sfence.sel $0xFFFF  }
0xbf: {  	[dreg:$0x0] =	wrdreg $0xFFFFFFFF;
	(pc) =	sbr.abs _section_cstart, $3  }
0xc0: {  	[dreg:$0x1] =	wrdreg $0xFFFFFFFF  }
0xc1: {  	_ =	task.clear_ibuf [dreg:s7], $0x2FFFF;
	_ =	strace $0x9FFFFFFF  }
0xc2: {  	(tm) =	ssettm $0x7FFFFFFF  }
0xc3: {  	_ =	shalt  }
tec
execute0_lowered:
.L_overlay_start_1:
0x0: {  	(tag) =	ssettag $0x1  }
0x1: {  	s4 =	rddreg [dreg:$0x0]  }
0x2: {  	s2 =	rddreg [dreg:$0x1];
	s3 =	srdreg.scid  }
0x3: {  	s0 =	rddreg [dreg:$0x2];
	s1 =	stileid.u32;
	s12 =	simm.s32 $0x3  }
0x4: {  	s13 =	simm.s32 $0xD00;
	s14 =	simm.s32 $0x2D00;
	s15 =	simm.s32 $0x1  }
0x5: {  	s16 =	simm.s32 $0x40;
	s17 =	simm.s32 $0x2;
	s18 =	simm.s32 $0xC80  }
0x6: {  	s19 =	simm.s32 $0x0;
	s5 =	sand.u32 $0x1, s3;
	s3 =	simm.s32 $0x0  }
0x7: {  	s6 =	sshll.u32 s1, $0x8;
	s10 =	sadd.s32 $0x3800, s4;
	s28 =	sshll.u32 s1, $0x14  }
0x8: {  	s7 =	sshll.u32 s5, $0x7;
	[smem:$0x7FF] =	sst s3;
	s26 =	ssub.s32 $0x2, s5  }
0x9: {  	s5 =	sshll.u32 s5, $0x13;
	s6 =	sor.u32 s7, s6;
	s9 =	sshrl.u32 s26, $0x1  }
0xa: {  	_ =	strace $0x80000047;
	s8 =	sshrl.u32 s6, $0x3;
	s7 =	ssub.s32 s26, s9  }
0xb: {  	s6 =	sshll.u32 s6, $0x9;
	s9 =	sor.u32 s5, s28;
	s8 =	sadd.s32 s8, s4  }
0xc: {  	s29 =	sadd.s32 s6, s10;
	s5 =	smax.u32 s7, $0x1;
	s11 =	sor.u32 $0x80, s9  }
0xd: {  	s30 =	sshrl.u32 s9, $0x3;
	s4 =	sadd.s32 $0x400, s8;
	s6 =	sadd.s32 $0x180, s29  }
0xe: {  	s7 =	sadd.s32 $0x190, s29;
	s31 =	sshrl.u32 s11, $0x3;
	s8 =	sadd.s32 s30, s10  }
0xf: {  	s11 =	simm.s32 $0x1000;
	s9 =	sadd.s32 s31, s10;
	s10 =	simm.s32 $0x80  }
.LBB2_1:
0x10: {  	[tilespmem:s3], [sflag:$0x3] =	stream.strided.gather [hbm4b:s4+s10], $0xD00, s11, s10, $0x38;
	[tilespmem:$0x4D00] =	vst v63  }
0x11: {  	_ =	swait.ge [sflag:s12], $0xD00  }
0x12: {  	[sflag:s12] =	ssyncset.done $0x0  }
0x13: {  	[sflag:s12] =	ssyncadd.s32 $0xFFFFF300  }
0x14: {  	[tilespmem:s13], [sflag:$0x1] =	stream.indirect.gather [hbm4b:s2+s10], $0x40, s3, s10, $0xb8;
	[tilespmem:$0x4D00] =	vst v63  }
0x15: {  	s20 =	simm.s32 $0x80  }
0x16: {  	[tilespmem:s14], [sflag:$0x2] =	stream.indirect.gather [hbm4b:s2+s10], $0x40, s20, s10, $0xb8;
	[tilespmem:$0x4D00] =	vst v63  }
0x17: {  	_ =	swait.ge [sflag:s15], $0x2000  }
0x18: {  	[sflag:s15] =	ssyncset.done $0x0  }
0x19: {  	s29 =	sadd.s32 $0x0, s8;
	[sflag:s15] =	ssyncadd.s32 $0xFFFFE000  }
0x1a: {  	[hbm4b:s29+s16] =	stream.strided.scatter [tilespmem:s13], [sflag:$0x3], $0x2000, s11, s16, $0x38;
	[tilespmem:$0x4D00] =	vst v63  }
0x1b: {  	_ =	swait.ge [sflag:s12], $0x2000  }
0x1c: {  	[sflag:s12] =	ssyncset.done $0x0  }
0x1d: {  	s30 =	simm.s32 $0x100;
	[sflag:s12] =	ssyncadd.s32 $0xFFFFE000  }
0x1e: {  	[tilespmem:s13], [sflag:$0x1] =	stream.indirect.gather [hbm4b:s2+s10], $0x40, s30, s10, $0xb8;
	[tilespmem:$0x4D00] =	vst v63  }
0x1f: {  	_ =	swait.ge [sflag:s17], $0x2000  }
0x20: {  	[sflag:s17] =	ssyncset.done $0x0  }
0x21: {  	s31 =	sadd.s32 $0x0, s9;
	[sflag:s17] =	ssyncadd.s32 $0xFFFFE000  }
0x22: {  	[hbm4b:s31+s16] =	stream.strided.scatter [tilespmem:s14], [sflag:$0x3], $0x2000, s11, s16, $0x38;
	[tilespmem:$0x4D00] =	vst v63  }
0x23: {  	s22 =	simm.s32 $0x40;
	_ =	swait.ge [sflag:s12], $0x2000  }
0x24: {  	s21 =	simm.s32 $0x200;
	s20 =	simm.s32 $0x20;
	[sflag:s12] =	ssyncset.done $0x0  }
.LBB2_2:
0x25: {  	p0 =	sne.s32 s22, $0x160;
	s23 =	sadd.s32 $0xFFFFFF80, s21;
	[sflag:s12] =	ssyncadd.s32 $0xFFFFE000  }
0x26: {  	[tilespmem:s14], [sflag:$0x2] =	stream.indirect.gather [hbm4b:s2+s10], $0x40, s23, s10, $0xb8;
	[tilespmem:$0x4D00] =	vst v63  }
0x27: {  	s23 =	smov.u32 s22;
	s22 =	sadd.s32 $0x20, s22;
	_ =	swait.ge [sflag:s15], $0x2000  }
0x28: {  	[sflag:s15] =	ssyncset.done $0x0  }
0x29: {  	s24 =	sadd.s32 s20, s8;
	[sflag:s15] =	ssyncadd.s32 $0xFFFFE000  }
0x2a: {  	[hbm4b:s24+s16] =	stream.strided.scatter [tilespmem:s13], [sflag:$0x3], $0x2000, s11, s16, $0x38;
	[tilespmem:$0x4D00] =	vst v63  }
0x2b: {  	_ =	swait.ge [sflag:s12], $0x2000  }
0x2c: {  	[sflag:s12] =	ssyncset.done $0x0  }
0x2d: {  	[sflag:s12] =	ssyncadd.s32 $0xFFFFE000  }
0x2e: {  	[tilespmem:s13], [sflag:$0x1] =	stream.indirect.gather [hbm4b:s2+s10], $0x40, s21, s10, $0xb8;
	[tilespmem:$0x4D00] =	vst v63  }
0x2f: {  	_ =	swait.ge [sflag:s17], $0x2000  }
.Ltmp0:
0x30: {  	[sflag:s17] =	ssyncset.done $0x0;
	(pc) =	sbr.rel @p0 .LBB2_2-.Ltmp0, $4  }
0x31: {  	s24 =	sadd.s32 s20, s9;
	s20 =	smov.u32 s23;
	[sflag:s17] =	ssyncadd.s32 $0xFFFFE000  }
0x32: {  	[hbm4b:s24+s16] =	stream.strided.scatter [tilespmem:s14], [sflag:$0x3], $0x2000, s11, s16, $0x38;
	[tilespmem:$0x4D00] =	vst v63  }
0x33: {  	_ =	swait.ge [sflag:s12], $0x2000  }
0x34: {  	s21 =	sadd.s32 $0x100, s21;
	[sflag:s12] =	ssyncset.done $0x0  }
0x35: {  	s22 =	sadd.s32 $0xFFFFFF80, s21;
	[sflag:s12] =	ssyncadd.s32 $0xFFFFE000  }
0x36: {  	[tilespmem:s14], [sflag:$0x2] =	stream.indirect.gather [hbm4b:s2+s10], $0x40, s22, s10, $0xb8;
	[tilespmem:$0x4D00] =	vst v63  }
0x37: {  	_ =	swait.ge [sflag:s15], $0x2000  }
0x38: {  	[sflag:s15] =	ssyncset.done $0x0  }
0x39: {  	s30 =	sadd.s32 s20, s8;
	[sflag:s15] =	ssyncadd.s32 $0xFFFFE000  }
0x3a: {  	[hbm4b:s30+s16] =	stream.strided.scatter [tilespmem:s13], [sflag:$0x3], $0x2000, s11, s16, $0x38;
	[tilespmem:$0x4D00] =	vst v63  }
0x3b: {  	_ =	swait.ge [sflag:s12], $0x2000  }
0x3c: {  	[sflag:s12] =	ssyncset.done $0x0  }
0x3d: {  	[sflag:s12] =	ssyncadd.s32 $0xFFFFE000  }
0x3e: {  	[tilespmem:s13], [sflag:$0x1] =	stream.indirect.gather [hbm4b:s2+s10], $0x40, s21, s10, $0xb8;
	[tilespmem:$0x4D00] =	vst v63  }
0x3f: {  	_ =	swait.ge [sflag:s17], $0x2000  }
0x40: {  	[sflag:s17] =	ssyncset.done $0x0  }
0x41: {  	s31 =	sadd.s32 s20, s9;
	[sflag:s17] =	ssyncadd.s32 $0xFFFFE000  }
0x42: {  	[hbm4b:s31+s16] =	stream.strided.scatter [tilespmem:s14], [sflag:$0x3], $0x2000, s11, s16, $0x38;
	[tilespmem:$0x4D00] =	vst v63  }
0x43: {  	_ =	swait.ge [sflag:s12], $0x2000  }
0x44: {  	[sflag:s12] =	ssyncset.done $0x0  }
0x45: {  	[sflag:s12] =	ssyncadd.s32 $0xFFFFE000  }
0x46: {  	[tilespmem:s14], [sflag:$0x2] =	stream.indirect.gather [hbm4b:s2+s10], $0x40, s18, s10, $0xb8;
	[tilespmem:$0x4D00] =	vst v63  }
0x47: {  	_ =	swait.ge [sflag:s15], $0x2000  }
0x48: {  	[sflag:s15] =	ssyncset.done $0x0  }
0x49: {  	[sflag:s15] =	ssyncadd.s32 $0xFFFFE000  }
0x4a: {  	[hbm4b:s6+s16] =	stream.strided.scatter [tilespmem:s13], [sflag:$0x3], $0x2000, s11, s16, $0x38;
	[tilespmem:$0x4D00] =	vst v63  }
0x4b: {  	_ =	swait.ge [sflag:s12], $0x2000  }
0x4c: {  	[sflag:s12] =	ssyncset.done $0x0  }
0x4d: {  	[sflag:s12] =	ssyncadd.s32 $0xFFFFE000  }
0x4e: {  	s19 =	sadd.s32 $0x1, s19;
	_ =	swait.ge [sflag:s17], $0x2000  }
0x4f: {  	p0 =	sne.s32 s19, s5;
	[sflag:s17] =	ssyncset.done $0x0  }
.Ltmp1:
0x50: {  	[sflag:s17] =	ssyncadd.s32 $0xFFFFE000;
	(pc) =	sbr.rel @p0 .LBB2_1-.Ltmp1, $4  }
0x51: {  	[hbm4b:s7+s16] =	stream.strided.scatter [tilespmem:s14], [sflag:$0x3], $0x2000, s11, s16, $0x38;
	[tilespmem:$0x4D00] =	vst v63  }
0x52: {  	_ =	swait.ge [sflag:s12], $0x2000  }
0x53: {  	[sflag:s12] =	ssyncset.done $0x0  }
0x54: {  	[sflag:s12] =	ssyncadd.s32 $0xFFFFE000  }
0x55: {  	_ =	sfence.sel $0x180000  }
0x56: {  	[bflag:$0x0] =	sbarrier.arrive $0xFFFF  }
0x57: {  	p0 =	sne.s32 s1, $0x0;
	_ =	strace $0x90000047  }
0x58: {  	s0 =	sadd.s32 @!p0 $0x100000, s0;
	[bflag:$0x2] =	sbarrier.arrive $0xFFFF  }
0x59: {  	[sflag:s0] =	ssyncadd.tile.s32 @!p0 $0x1;
	_ =	shalt  }
.Lfunc_end2:
_tile_overlayer_lowered:
.L_overlay_start_2:
0x5a: {  	(tag) =	ssettag $0x2  }
0x5b: {  	s0 =	rddreg [dreg:$0x0];
	s2 =	stileid.u32  }
0x5c: {  	s1 =	rddreg [dreg:$0x1];
	p0 =	sne.s32 s2, $0x0  }
0x5d: {  	s3 =	rddreg [dreg:$0x2];
	[bflag:$0x3] =	sbarrier.arrive $0xFFFF;
	s2 =	simm.s32 @!p0 $0x1C03  }
0x5e: {  	[timem:s3], [sflag:s2] =	dma.local @!p0 [hbm:s0], s1  }
0x5f: {  	s0 =	simm.s32 @!p0 $0x3  }
0x60: {  	_ =	swait.ge @!p0 [sflag:s0], s1  }
0x61: {  	s1 =	ssub.s32 @!p0 $0x0, s1;
	[sflag:s0] =	ssyncset.done @!p0 $0x0  }
0x62: {  	[sflag:s0] =	ssyncadd.s32 @!p0 s1  }
0x63: {  	[bflag:$0x3] =	sbarrier.arrive $0xFFFF  }
0x64: {  	_ =	shalt  }

</sc_bundles>
